<compile_context>
chip_gen: v7x
topology: tpu7x:2x2x1
jax: 0.10.2.dev20260603
libtpu: 0.0.44.dev20260713+nightly
codegen_flags: <defaults>
</compile_context>

<pallas_src>
import jax
import jax.numpy as jnp
from jax.experimental import pallas as pl

_ROWS = 128
_N = 1_000_000
_GROUP = 128
_TILE = 16384
_GPT = _TILE // _GROUP
_NT = (_N + _TILE - 1) // _TILE
_G = _NT * _GPT
_K = 100


def _gmax_kernel(x_ref, o_ref):
    t = pl.program_id(0)
    x = x_ref[...]
    col = t * _TILE + jax.lax.broadcasted_iota(jnp.int32, (_ROWS, _TILE), 1)
    x = jnp.where(col < _N, x, -jnp.inf)
    o_ref[...] = jnp.max(x.reshape(_ROWS, _GPT, _GROUP), axis=-1)


def _group_select_kernel(g_ref, ids_ref):
    gid = jax.lax.broadcasted_iota(jnp.int32, (_ROWS, _G), 1)
    slot = jax.lax.broadcasted_iota(jnp.int32, (_ROWS, _K), 1)

    def body(i, carry):
        x, ids = carry
        m = jnp.max(x, axis=1, keepdims=True)
        mi = jnp.where(x == m, gid, _G)
        idx = jnp.min(mi, axis=1, keepdims=True)
        ids = jnp.where(slot == i, idx, ids)
        return jnp.where(mi == idx, -jnp.inf, x), ids

    _, ids = jax.lax.fori_loop(
        0, _K, body, (g_ref[...], jnp.zeros((_ROWS, _K), jnp.int32)),
        unroll=False)
    ids_ref[...] = ids


def _final_select_kernel(c_ref, ids_ref, vals_ref, inds_ref):
    lane = jax.lax.broadcasted_iota(jnp.int32, (_ROWS, _K, _GROUP), 2)
    col = ids_ref[...][:, :, None] * _GROUP + lane
    big = jnp.int32(_N)
    x0 = jnp.where(col < _N, c_ref[...], -jnp.inf)
    slot = jax.lax.broadcasted_iota(jnp.int32, (_ROWS, _K), 1)

    def body(i, carry):
        x, vals, inds = carry
        m = jnp.max(x, axis=(1, 2), keepdims=True)
        mi = jnp.where(x == m, col, big)
        idx = jnp.min(mi, axis=(1, 2), keepdims=True)
        vals = jnp.where(slot == i, m.reshape(_ROWS, 1), vals)
        inds = jnp.where(slot == i, idx.reshape(_ROWS, 1), inds)
        return jnp.where(mi == idx, -jnp.inf, x), vals, inds

    _, vals, inds = jax.lax.fori_loop(
        0, _K, body,
        (x0, jnp.zeros((_ROWS, _K), jnp.float32),
         jnp.zeros((_ROWS, _K), jnp.int32)),
        unroll=False)
    vals_ref[...] = vals
    inds_ref[...] = inds


def kernel(scores, K):
    gmax = pl.pallas_call(
        _gmax_kernel,
        grid=(_NT,),
        in_specs=[pl.BlockSpec((_ROWS, _TILE), lambda t: (0, t))],
        out_specs=pl.BlockSpec((_ROWS, _GPT), lambda t: (0, t)),
        out_shape=jax.ShapeDtypeStruct((_ROWS, _G), jnp.float32),
    )(scores)

    gids = pl.pallas_call(
        _group_select_kernel,
        out_shape=jax.ShapeDtypeStruct((_ROWS, _K), jnp.int32),
    )(gmax)

    cols = gids[:, :, None] * _GROUP + jnp.arange(_GROUP, dtype=jnp.int32)
    cols = cols.reshape(_ROWS, _K * _GROUP)
    cand = jnp.take_along_axis(scores, jnp.minimum(cols, _N - 1), axis=1)
    cand = cand.reshape(_ROWS, _K, _GROUP)

    top_vals, top_inds = pl.pallas_call(
        _final_select_kernel,
        out_shape=(
            jax.ShapeDtypeStruct((_ROWS, _K), jnp.float32),
            jax.ShapeDtypeStruct((_ROWS, _K), jnp.int32),
        ),
    )(cand, gids)
    return top_vals, top_inds

# --- scband reference (transcript-rebuilt; emitter-appended) ---
"""Pipeline reference for scband-base-net-69398081569298 (READ-ONLY COPY).

The authoritative reference and input builder live on the scoring server;
editing this copy changes nothing except your own understanding.
"""

import jax, jax.numpy as jnp
import numpy as np


def setup_inputs(seed: int = 0) -> dict:
    key = jax.random.key(seed)
    scores = jax.random.normal(key, (128, 1000000), dtype=jnp.float32)
    return {"scores": scores, "K": 100}


def reference(scores, K):
    # Faithful translation of BaseNet._predict_batch for the tensor-output path:
    #   top_vals, top_inds = torch.topk(out, K)
    top_vals, top_inds = jax.lax.top_k(scores, 100)
    top_inds = top_inds + (K - K)
    return top_vals, top_inds

if __name__ == "__main__":
    import jax
    _d = setup_inputs()
    print(jax.jit(kernel)(*tuple(_d.values())))

</pallas_src>

<mosaic_0001>
module attributes {stable_mosaic.version = 14 : i64} {
  func.func @_group_select_kernel(%arg0: memref<128x7936xf32, #tpu.memory_space<vmem>>, %arg1: memref<128x100xi32, #tpu.memory_space<vmem>>) attributes {dimension_semantics = [], scalar_prefetch = 0 : i64, scratch_operands = 0 : i64, tpu.core_type = #tpu.core_type<tc>} {
    %iota3A = tpu.iota {dimensions = array<i32: 1>} : vector<128x7936xi32>
    %iota3A_0 = tpu.iota {dimensions = array<i32: 1>} : vector<128x100xi32>
    %get3A = arith.constant 0 : index
    %get3A_1 = arith.constant 0 : index
    %get3A_2 = vector.load %arg0[%get3A, %get3A_1] : memref<128x7936xf32, #tpu.memory_space<vmem>>, vector<128x7936xf32>
    %broadcast_in_dim3A = arith.constant 0 : i32
    %broadcast_in_dim3A_3 = vector.broadcast %broadcast_in_dim3A : i32 to vector<128x100xi32>
    %scan3A = arith.constant 0 : i32
    %scan3A_4 = arith.constant 100 : i32
    %scan3A_5 = arith.addi %scan3A, %scan3A_4 : i32
    %scan3A_6 = arith.constant 1 : i32
    %scan3A_7:2 = scf.for %scan3A_11 = %scan3A to %scan3A_5 step %scan3A_6 iter_args(%scan3A_12 = %get3A_2, %scan3A_13 = %broadcast_in_dim3A_3) -> (vector<128x7936xf32>, vector<128x100xi32>)  : i32 {
      %reduce_max3A = arith.constant dense<0xFF800000> : vector<128xf32>
      %reduce_max3A_14 = vector.multi_reduction <maximumf>, %scan3A_12, %reduce_max3A [1] : vector<128x7936xf32> to vector<128xf32>
      %broadcast_in_dim3A_15 = vector.shape_cast %reduce_max3A_14 : vector<128xf32> to vector<128x1xf32>
      %eq3A = vector.broadcast %broadcast_in_dim3A_15 : vector<128x1xf32> to vector<128x7936xf32>
      %eq3A_16 = arith.cmpf oeq, %scan3A_12, %eq3A : vector<128x7936xf32>
      %jit3A = arith.constant 7936 : i32
      %broadcast_in_dim3A_17 = vector.broadcast %jit3A : i32 to vector<128x7936xi32>
      %select_n3A = arith.select %eq3A_16, %iota3A, %broadcast_in_dim3A_17 : vector<128x7936xi1>, vector<128x7936xi32>
      %reduce_min3A = arith.constant dense<2147483647> : vector<128xi32>
      %reduce_min3A_18 = vector.multi_reduction <minsi>, %select_n3A, %reduce_min3A [1] : vector<128x7936xi32> to vector<128xi32>
      %broadcast_in_dim3A_19 = vector.shape_cast %reduce_min3A_18 : vector<128xi32> to vector<128x1xi32>
      %eq3A_20 = vector.broadcast %scan3A_11 : i32 to vector<128x100xi32>
      %eq3A_21 = arith.cmpi eq, %iota3A_0, %eq3A_20 : vector<128x100xi32>
      %broadcast_in_dim3A_22 = vector.shape_cast %broadcast_in_dim3A_19 : vector<128x1xi32> to vector<128x1xi32>
      %broadcast_in_dim3A_23 = vector.broadcast %broadcast_in_dim3A_22 : vector<128x1xi32> to vector<128x100xi32>
      %select_n3A_24 = arith.select %eq3A_21, %broadcast_in_dim3A_23, %scan3A_13 : vector<128x100xi1>, vector<128x100xi32>
      %eq3A_25 = vector.broadcast %broadcast_in_dim3A_19 : vector<128x1xi32> to vector<128x7936xi32>
      %eq3A_26 = arith.cmpi eq, %select_n3A, %eq3A_25 : vector<128x7936xi32>
      %jit3A_27 = arith.constant 0xFF800000 : f32
      %broadcast_in_dim3A_28 = vector.broadcast %jit3A_27 : f32 to vector<128x7936xf32>
      %select_n3A_29 = arith.select %eq3A_26, %broadcast_in_dim3A_28, %scan3A_12 : vector<128x7936xi1>, vector<128x7936xf32>
      scf.yield %select_n3A_29, %select_n3A_24 : vector<128x7936xf32>, vector<128x100xi32>
    }
    %scan3A_8 = arith.constant 100 : i32
    %swap3A = arith.constant 0 : index
    %swap3A_9 = arith.constant 0 : index
    %swap3A_10 = vector.load %arg1[%swap3A, %swap3A_9] : memref<128x100xi32, #tpu.memory_space<vmem>>, vector<128x100xi32>
    tpu.vector_store %arg1[%swap3A, %swap3A_9], %scan3A_7#1 {strides = array<i32>} : memref<128x100xi32, #tpu.memory_space<vmem>>, vector<128x100xi32>,
    return
  }
}

module attributes {stable_mosaic.version = 14 : i64} {
  func.func @_gmax_kernel(%arg0: i32, %arg1: memref<128x16384xf32, #tpu.memory_space<vmem>>, %arg2: memref<128x128xf32, #tpu.memory_space<vmem>>) attributes {dimension_semantics = [#tpu.dimension_semantics<arbitrary>], iteration_bounds = array<i64: 62>, scalar_prefetch = 0 : i64, scratch_operands = 0 : i64, tpu.core_type = #tpu.core_type<tc>, window_params = [{transform_indices = @transform_0, window_bounds = array<i64: 128, 16384>}, {transform_indices = @transform_1, window_bounds = array<i64: 128, 128>}]} {
    %get3A = arith.constant 0 : index
    %get3A_0 = arith.constant 0 : index
    %get3A_1 = vector.load %arg1[%get3A, %get3A_0] : memref<128x16384xf32, #tpu.memory_space<vmem>>, vector<128x16384xf32>
    %mul3A = arith.constant 16384 : i32
    %mul3A_2 = arith.muli %arg0, %mul3A : i32
    %iota3A = tpu.iota {dimensions = array<i32: 1>} : vector<128x16384xi32>
    %add3A = vector.broadcast %mul3A_2 : i32 to vector<128x16384xi32>
    %add3A_3 = arith.addi %add3A, %iota3A : vector<128x16384xi32>
    %lt3A = arith.constant 1000000 : i32
    %lt3A_4 = vector.broadcast %lt3A : i32 to vector<128x16384xi32>
    %lt3A_5 = arith.cmpi slt, %add3A_3, %lt3A_4 : vector<128x16384xi32>
    %jit3A = arith.constant 0xFF800000 : f32
    %broadcast_in_dim3A = vector.broadcast %jit3A : f32 to vector<128x16384xf32>
    %select_n3A = arith.select %lt3A_5, %get3A_1, %broadcast_in_dim3A : vector<128x16384xi1>, vector<128x16384xf32>
    %reshape3A = vector.shape_cast %select_n3A : vector<128x16384xf32> to vector<128x128x128xf32>
    %reduce_max3A = arith.constant dense<0xFF800000> : vector<128x128xf32>
    %reduce_max3A_6 = vector.multi_reduction <maximumf>, %reshape3A, %reduce_max3A [2] : vector<128x128x128xf32> to vector<128x128xf32>
    %swap3A = arith.constant 0 : index
    %swap3A_7 = arith.constant 0 : index
    %swap3A_8 = vector.load %arg2[%swap3A, %swap3A_7] : memref<128x128xf32, #tpu.memory_space<vmem>>, vector<128x128xf32>
    tpu.vector_store %arg2[%swap3A, %swap3A_7], %reduce_max3A_6 {strides = array<i32>} : memref<128x128xf32, #tpu.memory_space<vmem>>, vector<128x128xf32>,
    return
  }
  func.func @transform_0(%arg0: i32) -> (i32, i32) {
    %c0_i32 = arith.constant 0 : i32
    %c0_i32_0 = arith.constant 0 : i32
    return %c0_i32, %arg0 : i32, i32
  }
  func.func @transform_1(%arg0: i32) -> (i32, i32) {
    %c0_i32 = arith.constant 0 : i32
    %c0_i32_0 = arith.constant 0 : i32
    return %c0_i32, %arg0 : i32, i32
  }
}

module attributes {stable_mosaic.version = 14 : i64} {
  func.func @_final_select_kernel(%arg0: memref<128x100x128xf32, #tpu.memory_space<vmem>>, %arg1: memref<128x100xi32, #tpu.memory_space<vmem>>, %arg2: memref<128x100xf32, #tpu.memory_space<vmem>>, %arg3: memref<128x100xi32, #tpu.memory_space<vmem>>) attributes {dimension_semantics = [], scalar_prefetch = 0 : i64, scratch_operands = 0 : i64, tpu.core_type = #tpu.core_type<tc>} {
    %iota3A = tpu.iota {dimensions = array<i32: 2>} : vector<128x100x128xi32>
    %get3A = arith.constant 0 : index
    %get3A_0 = arith.constant 0 : index
    %get3A_1 = vector.load %arg1[%get3A, %get3A_0] : memref<128x100xi32, #tpu.memory_space<vmem>>, vector<128x100xi32>
    %broadcast_in_dim3A = vector.shape_cast %get3A_1 : vector<128x100xi32> to vector<128x100x1xi32>
    %mul3A = arith.constant 128 : i32
    %mul3A_2 = vector.broadcast %mul3A : i32 to vector<128x100x1xi32>
    %mul3A_3 = arith.muli %broadcast_in_dim3A, %mul3A_2 : vector<128x100x1xi32>
    %add3A = vector.broadcast %mul3A_3 : vector<128x100x1xi32> to vector<128x100x128xi32>
    %add3A_4 = arith.addi %add3A, %iota3A : vector<128x100x128xi32>
    %lt3A = arith.constant 1000000 : i32
    %lt3A_5 = vector.broadcast %lt3A : i32 to vector<128x100x128xi32>
    %lt3A_6 = arith.cmpi slt, %add3A_4, %lt3A_5 : vector<128x100x128xi32>
    %get3A_7 = arith.constant 0 : index
    %get3A_8 = arith.constant 0 : index
    %get3A_9 = arith.constant 0 : index
    %get3A_10 = vector.load %arg0[%get3A_7, %get3A_8, %get3A_9] : memref<128x100x128xf32, #tpu.memory_space<vmem>>, vector<128x100x128xf32>
    %jit3A = arith.constant 0xFF800000 : f32
    %broadcast_in_dim3A_11 = vector.broadcast %jit3A : f32 to vector<128x100x128xf32>
    %select_n3A = arith.select %lt3A_6, %get3A_10, %broadcast_in_dim3A_11 : vector<128x100x128xi1>, vector<128x100x128xf32>
    %iota3A_12 = tpu.iota {dimensions = array<i32: 1>} : vector<128x100xi32>
    %broadcast_in_dim3A_13 = arith.constant 0.000000e+00 : f32
    %broadcast_in_dim3A_14 = vector.broadcast %broadcast_in_dim3A_13 : f32 to vector<128x100xf32>
    %broadcast_in_dim3A_15 = arith.constant 0 : i32
    %broadcast_in_dim3A_16 = vector.broadcast %broadcast_in_dim3A_15 : i32 to vector<128x100xi32>
    %scan3A = arith.constant 1000000 : i32
    %scan3A_17 = arith.constant 0 : i32
    %scan3A_18 = arith.constant 100 : i32
    %scan3A_19 = arith.addi %scan3A_17, %scan3A_18 : i32
    %scan3A_20 = arith.constant 1 : i32
    %scan3A_21:3 = scf.for %scan3A_28 = %scan3A_17 to %scan3A_19 step %scan3A_20 iter_args(%scan3A_29 = %select_n3A, %scan3A_30 = %broadcast_in_dim3A_14, %scan3A_31 = %broadcast_in_dim3A_16) -> (vector<128x100x128xf32>, vector<128x100xf32>, vector<128x100xi32>)  : i32 {
      %reduce_max3A = arith.constant dense<0xFF800000> : vector<128xf32>
      %reduce_max3A_32 = vector.multi_reduction <maximumf>, %scan3A_29, %reduce_max3A [1, 2] : vector<128x100x128xf32> to vector<128xf32>
      %broadcast_in_dim3A_33 = vector.shape_cast %reduce_max3A_32 : vector<128xf32> to vector<128x1x1xf32>
      %eq3A = vector.broadcast %broadcast_in_dim3A_33 : vector<128x1x1xf32> to vector<128x100x128xf32>
      %eq3A_34 = arith.cmpf oeq, %scan3A_29, %eq3A : vector<128x100x128xf32>
      %broadcast_in_dim3A_35 = vector.broadcast %scan3A : i32 to vector<128x100x128xi32>
      %select_n3A_36 = arith.select %eq3A_34, %add3A_4, %broadcast_in_dim3A_35 : vector<128x100x128xi1>, vector<128x100x128xi32>
      %reduce_min3A = arith.constant dense<2147483647> : vector<128xi32>
      %reduce_min3A_37 = vector.multi_reduction <minsi>, %select_n3A_36, %reduce_min3A [1, 2] : vector<128x100x128xi32> to vector<128xi32>
      %broadcast_in_dim3A_38 = vector.shape_cast %reduce_min3A_37 : vector<128xi32> to vector<128x1x1xi32>
      %eq3A_39 = vector.broadcast %scan3A_28 : i32 to vector<128x100xi32>
      %eq3A_40 = arith.cmpi eq, %iota3A_12, %eq3A_39 : vector<128x100xi32>
      %reshape3A = vector.shape_cast %broadcast_in_dim3A_33 : vector<128x1x1xf32> to vector<128x1xf32>
      %broadcast_in_dim3A_41 = vector.shape_cast %reshape3A : vector<128x1xf32> to vector<128x1xf32>
      %broadcast_in_dim3A_42 = vector.broadcast %broadcast_in_dim3A_41 : vector<128x1xf32> to vector<128x100xf32>
      %select_n3A_43 = arith.select %eq3A_40, %broadcast_in_dim3A_42, %scan3A_30 : vector<128x100xi1>, vector<128x100xf32>
      %eq3A_44 = vector.broadcast %scan3A_28 : i32 to vector<128x100xi32>
      %eq3A_45 = arith.cmpi eq, %iota3A_12, %eq3A_44 : vector<128x100xi32>
      %reshape3A_46 = vector.shape_cast %broadcast_in_dim3A_38 : vector<128x1x1xi32> to vector<128x1xi32>
      %broadcast_in_dim3A_47 = vector.shape_cast %reshape3A_46 : vector<128x1xi32> to vector<128x1xi32>
      %broadcast_in_dim3A_48 = vector.broadcast %broadcast_in_dim3A_47 : vector<128x1xi32> to vector<128x100xi32>
      %select_n3A_49 = arith.select %eq3A_45, %broadcast_in_dim3A_48, %scan3A_31 : vector<128x100xi1>, vector<128x100xi32>
      %eq3A_50 = vector.broadcast %broadcast_in_dim3A_38 : vector<128x1x1xi32> to vector<128x100x128xi32>
      %eq3A_51 = arith.cmpi eq, %select_n3A_36, %eq3A_50 : vector<128x100x128xi32>
      %jit3A_52 = arith.constant 0xFF800000 : f32
      %broadcast_in_dim3A_53 = vector.broadcast %jit3A_52 : f32 to vector<128x100x128xf32>
      %select_n3A_54 = arith.select %eq3A_51, %broadcast_in_dim3A_53, %scan3A_29 : vector<128x100x128xi1>, vector<128x100x128xf32>
      scf.yield %select_n3A_54, %select_n3A_43, %select_n3A_49 : vector<128x100x128xf32>, vector<128x100xf32>, vector<128x100xi32>
    }
    %scan3A_22 = arith.constant 100 : i32
    %swap3A = arith.constant 0 : index
    %swap3A_23 = arith.constant 0 : index
    %swap3A_24 = vector.load %arg2[%swap3A, %swap3A_23] : memref<128x100xf32, #tpu.memory_space<vmem>>, vector<128x100xf32>
    tpu.vector_store %arg2[%swap3A, %swap3A_23], %scan3A_21#1 {strides = array<i32>} : memref<128x100xf32, #tpu.memory_space<vmem>>, vector<128x100xf32>,
    %swap3A_25 = arith.constant 0 : index
    %swap3A_26 = arith.constant 0 : index
    %swap3A_27 = vector.load %arg3[%swap3A_25, %swap3A_26] : memref<128x100xi32, #tpu.memory_space<vmem>>, vector<128x100xi32>
    tpu.vector_store %arg3[%swap3A_25, %swap3A_26], %scan3A_21#2 {strides = array<i32>} : memref<128x100xi32, #tpu.memory_space<vmem>>, vector<128x100xi32>,
    return
  }
}

</mosaic_0001>

<sc_bundles>
// kernel: gather_offload_async_start
scs
__scs_entry_jumppad:
0x0: {  	(pc) =	sbr.rel $0x88, $3  }
0x1: {  	(tag) =	ssettag $0x0;
	lr =	simm.s32 $0x1  }
0x2: {  	[smem:$0x3FA0] =	sst lr;
	_ =	strace $0xD0000000  }
0x3: {  	_ = 	snop  }
0x4: {  	_ = 	snop  }
0x5: {  	_ = 	snop  }
0x6: {  	_ = 	snop  }
0x7: {  	_ = 	snop  }
__scs_overlays_trampoline_lowered:
0x8: {  	[smem:$0x3FAF] =	sst s0  }
0x9: {  	[smem:$0x3FB0] =	sst s1  }
0xa: {  	[smem:$0x3FB1] =	sst s2  }
0xb: {  	[smem:$0x3FB2] =	sst s3  }
0xc: {  	[smem:$0x3FB3] =	sst s4  }
0xd: {  	[smem:$0x3FB4] =	sst s5  }
0xe: {  	[smem:$0x3FB5] =	sst s6  }
0xf: {  	[smem:$0x3FB6] =	sst s7  }
0x10: {  	[smem:$0x3FB7] =	sst s8  }
0x11: {  	[smem:$0x3FB8] =	sst s9;
	s0 =	simm.s32 @!p0 $0x0  }
0x12: {  	s1 =	sld [smem:$0x3F9E];
	s0 =	simm.s32 @p0 $0x1  }
0x13: {  	[smem:$0x3FB9] =	sst s0;
	s0 =	simm.s32 @!p1 $0x0  }
0x14: {  	s2 =	sld [smem:$0x3F9D];
	s0 =	simm.s32 @p1 $0x1  }
0x15: {  	[smem:$0x3FBA] =	sst s0;
	s0 =	simm.s32 @!p2 $0x0  }
0x16: {  	s3 =	sld [smem:$0x3FDB];
	s0 =	simm.s32 @p2 $0x1  }
0x17: {  	s4 =	simm.s32 $0x1BF5;
	[smem:$0x3FBC] =	sst s0  }
0x18: {  	s0 =	sld [smem:$0x3F9F];
	_ =	swait.ge [sflag:s4], $0x0  }
0x19: {  	s7 =	sld [smem:$0x3FA0]  }
0x1a: {  	s8 =	sadd.s32 $0xFFFFE003, lr  }
0x1b: {  	s9 =	sadd.s32 $0xFFFFFEF7, lr;
	s5 =	simm.s32 $0xFFFFFFFF;
	p2 =	slt.u32 s8, $0xFFFFF086  }
0x1c: {  	p1 =	slt.u32 s9, $0xF7A;
	s5 =	simm.s32 @!p2 $0x0  }
0x1d: {  	s5 =	simm.s32 @p1 $0x1;
	p0 =	seq.s32 s7, s2  }
0x1e: {  	s7 =	smul.u32 @!p0 $0xF7A, s2;
	p2 =	seq.s32 @!p0 s5, $0x0  }
0x1f: {  	s9 =	smul.u32 $0xF7A, s1;
	s8 =	simm.s32 @!p0 $0x1BF5;
	p2 =	por !p2, p0  }
0x20: {  	[sflag:s8] =	ssyncset.s32 @!p0 $0xFFFFF086;
	s6 =	sadd.s32 @!p0 s3, s7;
	s7 =	simm.s32 @!p0 $0x108  }
0x21: {  	s3 =	sadd.s32 s3, s9;
	s6 =	sadd.s32 @!p0 $0x88, s6;
	s7 =	simm.s32 @p2 $0x1082  }
0x22: {  	[simem:s7], [sflag:s8] =	dma.local @!p0 [hbm:s6], $0xF7A  }
0x23: {  	s9 =	sor.u32 $0xD0000000, s2;
	s6 =	simm.s32 $0x108;
	_ =	swait.ge @!p0 [sflag:s8], $0x0  }
0x24: {  	s3 =	sadd.s32 $0x88, s3;
	s6 =	simm.s32 @!p1 $0x1082;
	[sflag:s4] =	ssyncset.s32 $0xFFFFF086  }
0x25: {  	[simem:s6], [sflag:s4] =	dma.local [hbm:s3], $0xF7A  }
0x26: {  	[smem:$0x3FA0] =	sst s1;
	(tag) =	ssettag s2;
	_ =	strace s9  }
0x27: {  	s1 =	sld [smem:$0x3FB0]  }
0x28: {  	s2 =	sld [smem:$0x3FB1]  }
0x29: {  	s4 =	sld [smem:$0x3FB3]  }
0x2a: {  	p0 =	seq.s32 s5, $0x0;
	s5 =	sld [smem:$0x3FB4]  }
0x2b: {  	s6 =	sld [smem:$0x3FB5]  }
0x2c: {  	s7 =	sld [smem:$0x3FB6]  }
0x2d: {  	s3 =	simm.s32 $0x108;
	s8 =	sld [smem:$0x3FB7]  }
0x2e: {  	s3 =	simm.s32 @!p0 $0x1082;
	s9 =	sld [smem:$0x3FB8]  }
0x2f: {  	lr =	sadd.s32 s0, s3;
	s0 =	sld [smem:$0x3FAF]  }
0x30: {  	s3 =	sld [smem:$0x3FB2]  }
0x31: {  	[smem:$0x3FBB] =	sst s10  }
0x32: {  	s10 =	sld [smem:$0x3FB9];
	_ =	sdelay $0x3  }
0x33: {  	p0 =	seq.s32 s10, $0x1;
	s10 =	sld [smem:$0x3FBB];
	_ =	sdelay $0x3  }
0x34: {  	[smem:$0x3FBB] =	sst s10  }
0x35: {  	s10 =	sld [smem:$0x3FBA];
	_ =	sdelay $0x3  }
0x36: {  	p1 =	seq.s32 s10, $0x1;
	s10 =	sld [smem:$0x3FBB];
	_ =	sdelay $0x3  }
0x37: {  	[smem:$0x3FBB] =	sst s10  }
0x38: {  	s10 =	sld [smem:$0x3FBC]  }
0x39: {  	_ = 	snop;
	(pc) =	sbr.ind lr, $3  }
0x3a: {  	_ = 	snop  }
0x3b: {  	_ = 	snop  }
0x3c: {  	p2 =	seq.s32 s10, $0x1;
	s10 =	sld [smem:$0x3FBB]  }
0x3d: {  	_ =	shalt  }
0x3e: {  	_ =	shalt  }
0x3f: {  	_ =	shalt  }
0x40: {  	_ =	shalt  }
0x41: {  	_ =	shalt  }
0x42: {  	_ =	shalt  }
0x43: {  	_ =	shalt  }
0x44: {  	_ =	shalt  }
0x45: {  	_ =	shalt  }
0x46: {  	_ =	shalt  }
0x47: {  	_ =	shalt  }
0x48: {  	_ =	shalt  }
0x49: {  	_ =	shalt  }
0x4a: {  	_ =	shalt  }
0x4b: {  	_ =	shalt  }
0x4c: {  	_ =	shalt  }
0x4d: {  	_ =	shalt  }
0x4e: {  	_ =	shalt  }
0x4f: {  	_ =	shalt  }
0x50: {  	_ =	shalt  }
0x51: {  	_ =	shalt  }
0x52: {  	_ =	shalt  }
0x53: {  	_ =	shalt  }
0x54: {  	_ =	shalt  }
0x55: {  	_ =	shalt  }
0x56: {  	_ =	shalt  }
0x57: {  	_ =	shalt  }
0x58: {  	_ =	shalt  }
0x59: {  	_ =	shalt  }
0x5a: {  	_ =	shalt  }
0x5b: {  	_ =	shalt  }
0x5c: {  	_ =	shalt  }
0x5d: {  	_ =	shalt  }
0x5e: {  	_ =	shalt  }
0x5f: {  	_ =	shalt  }
0x60: {  	_ =	shalt  }
0x61: {  	_ =	shalt  }
0x62: {  	_ =	shalt  }
0x63: {  	_ =	shalt  }
0x64: {  	_ =	shalt  }
0x65: {  	_ =	shalt  }
0x66: {  	_ =	shalt  }
0x67: {  	_ =	shalt  }
0x68: {  	_ =	shalt  }
0x69: {  	_ =	shalt  }
0x6a: {  	_ =	shalt  }
0x6b: {  	_ =	shalt  }
0x6c: {  	_ =	shalt  }
0x6d: {  	_ =	shalt  }
0x6e: {  	_ =	shalt  }
0x6f: {  	_ =	shalt  }
0x70: {  	_ =	shalt  }
0x71: {  	_ =	shalt  }
0x72: {  	_ =	shalt  }
0x73: {  	_ =	shalt  }
0x74: {  	_ =	shalt  }
0x75: {  	_ =	shalt  }
0x76: {  	_ =	shalt  }
0x77: {  	_ =	shalt  }
0x78: {  	_ =	shalt  }
0x79: {  	_ =	shalt  }
0x7a: {  	_ =	shalt  }
0x7b: {  	_ =	shalt  }
0x7c: {  	_ =	shalt  }
0x7d: {  	_ =	shalt  }
0x7e: {  	_ =	shalt  }
0x7f: {  	_ =	shalt  }
0x80: {  	_ =	shalt  }
0x81: {  	_ =	shalt  }
0x82: {  	_ =	shalt  }
0x83: {  	_ =	shalt  }
0x84: {  	_ =	shalt  }
0x85: {  	_ =	shalt  }
0x86: {  	_ =	shalt  }
0x87: {  	_ =	shalt  }
.Lfunc_end0:
.L_simem_size_0:
called_computation_lowered:
.L_overlay_start_0:
0x88: {  	s2 =	sld [smem:$0x3FD9]  }
0x89: {  	s3 =	sld [smem:$0x3FFE];
	_ =	sdelay $0x1  }
0x8a: {  	s1 =	srdreg.scid  }
0x8b: {  	s0 =	sand.u32 $0x1, s1  }
0x8c: {  	s17 =	sshll.u32 s0, $0xA;
	s2 =	sadd.s32 s3, s2  }
0x8d: {  	s2 =	sadd.s32 s2, s17  }
0x8e: {  	[smem:$0x3FC7] =	sst s2  }
0x8f: {  	_ = 	snop  }
0x90: {  	s2 =	sld [smem:$0x3FC9];
	(tm) =	ssettm $0x1  }
0x91: {  	s18 =	sld [smem:$0x3FFB];
	_ =	sdelay $0x3  }
0x92: {  	_ =	strace s18  }
0x93: {  	s3 =	sld [smem:$0x3FFC];
	_ =	sdelay $0x3  }
0x94: {  	_ =	strace s3  }
0x95: {  	s3 =	sld [smem:$0x3FFD];
	_ =	sdelay $0x3  }
0x96: {  	_ =	strace s3  }
0x97: {  	_ =	strace $0x8FFFFFFF  }
0x98: {  	s19 =	sld [smem:$0x3FDB];
	_ =	sdelay $0x1  }
0x99: {  	s4 =	simm.s32 $_scs_section_size  }
0x9a: {  	s5 =	simm.s32 $_size__tile_overlayer_lowered;
	s6 =	simm.s32 $_tile_overlayer_lowered  }
0x9b: {  	s22 =	simm.s32 $0x1BFF;
	s21 =	sshll.u32 s6, $0x1;
	s3 =	sadd.s32 s4, s19  }
0x9c: {  	s7 =	simm.s32 $0x0;
	s20 =	sshll.u32 s5, $0x1;
	s5 =	sadd.s32 s21, s3  }
0x9d: {  	[timem:s7], [sflag:s22] =	dma.local [hbm:s5], s20  }
0x9e: {  	_ =	swait.ge [sflag:s22], s20  }
0x9f: {  	s4 =	ssub.s32 $0x0, s20;
	[sflag:s22] =	ssyncset.done $0x0  }
0xa0: {  	[sflag:s22] =	ssyncadd.s32 s4;
	_ =	sdelay $0x1  }
0xa1: {  	s23 =	simm.s32 $0x1B8B  }
0xa2: {  	_ =	swait.ge [sflag:s23], $0x1  }
0xa3: {  	[sflag:s23] =	ssyncset.done $0x0  }
0xa4: {  	s25 =	simm.s32 $0x1B8E;
	s24 =	sld [smem:$0x3FFE];
	[sflag:s23] =	ssyncadd.s32 $0xFFFFFFFF  }
0xa5: {  	s26 =	simm.s32 $execute0_lowered;
	[smem:$0x3FD2] =	sst s25  }
0xa6: {  	s5 =	sshll.u32 s26, $0x1;
	_ =	strace $0x80000046;
	[dreg:$0x1] =	wrdreg $0xFFFFFFFF  }
0xa7: {  	s28 =	simm.s32 $_size_execute0_lowered;
	s3 =	sadd.s32 s3, s5;
	[dreg:$0x0] =	wrdreg $0x0  }
0xa8: {  	s5 =	sshll.u32 s28, $0x1;
	[dreg:$0x2] =	wrdreg s3  }
0xa9: {  	[dreg:$0x3] =	wrdreg s5  }
0xaa: {  	[dreg:$0x4] =	wrdreg $0xC0  }
0xab: {  	_ =	task [dreg:s7], $0x5FFFF  }
0xac: {  	[dreg:$0x1] =	wrdreg $0xFFFFFFFF  }
0xad: {  	[dreg:$0x0] =	wrdreg $0x60  }
0xae: {  	[dreg:$0x2] =	wrdreg s2  }
0xaf: {  	[dreg:$0x3] =	wrdreg s24  }
0xb0: {  	[dreg:$0x4] =	wrdreg $0x9  }
0xb1: {  	_ =	task.clear_ibuf [dreg:s7], $0x5FFFF;
	_ =	strace $0x90000046  }
0xb2: {  	s29 =	simm.s32 $0x9;
	_ =	strace $0x80000048  }
0xb3: {  	_ =	swait.ge [sflag:s29], $0x1  }
0xb4: {  	[sflag:s29] =	ssyncadd.s32 $0xFFFFFFFF  }
0xb5: {  	_ =	strace $0x90000048  }
0xb6: {  	_ =	sfence  }
0xb7: {  	s30 =	sld [smem:$0x0];
	_ =	sdelay $0x2  }
0xb8: {  	s31 =	sshll.u32 s1, $0xD;
	s1 =	sshrl.u32 s1, $0x2  }
0xb9: {  	s3 =	sand.u32 $0x4000, s31;
	s1 =	sadd.s32 s1, s30  }
0xba: {  	s0 =	sor.u32 s3, s0;
	s1 =	sshll.u32 s1, $0x11  }
0xbb: {  	s0 =	sor.u32 s1, s0  }
0xbc: {  	s0 =	sadd.s32 $0x8F2B, s0  }
0xbd: {  	[sflag:s0] =	ssyncadd.remote.s32 $0x1  }
0xbe: {  	_ =	sfence.sel $0xFFFF  }
0xbf: {  	[dreg:$0x0] =	wrdreg $0xFFFFFFFF;
	(pc) =	sbr.abs _section_cstart, $3  }
0xc0: {  	[dreg:$0x1] =	wrdreg $0xFFFFFFFF  }
0xc1: {  	_ =	task.clear_ibuf [dreg:s7], $0x2FFFF;
	_ =	strace $0x9FFFFFFF  }
0xc2: {  	(tm) =	ssettm $0x7FFFFFFF  }
0xc3: {  	_ =	shalt  }
tec
execute0_lowered:
.L_overlay_start_1:
0x0: {  	(tag) =	ssettag $0x1  }
0x1: {  	s1 =	srdreg.scid;
	s2 =	rddreg [dreg:$0x0]  }
0x2: {  	s0 =	stileid.u32;
	s5 =	rddreg [dreg:$0x1];
	s6 =	simm.s32 $0x1  }
0x3: {  	s9 =	simm.s32 $0x1;
	s10 =	simm.s32 $0x3;
	s1 =	sshll.u32 s1, $0xF  }
0x4: {  	s13 =	simm.s32 $0x0;
	s3 =	sshll.u32 s0, $0x10;
	s4 =	sand.u32 $0x8000, s1  }
0x5: {  	s12 =	simm.s32 $0x0;
	s1 =	rddreg [dreg:$0x2];
	s3 =	sor.u32 s3, s4  }
0x6: {  	_ =	strace $0x80000047;
	s4 =	sadd.s32 $0x2000, s5;
	s8 =	ssub.s32 $0x190000, s3  }
.Ltmp0:
0x7: {  	s5 =	sadd.s32 $0x34000, s5;
	s7 =	sand.u32 $0xF8000, s8;
	(pc) =	sbr.rel .LBB2_1-.Ltmp0, $4  }
0x8: {  	[sflag:s6] =	ssyncpa.u1 $0x0;
	s11 =	smov.u32 s3;
	p0 =	sne.s32 s7, $0x0  }
0x9: {  	s8 =	sshrl.u32 s8, $0x14;
	s7 =	simm.s32 $0x2;
	s9 =	simm.s32 @!p0 $0x0  }
0xa: {  	[sflag:s7] =	ssyncpa.u1 $0x0;
	p0 =	por $0x0, $0x0;
	s8 =	sadd.s32 s9, s8  }
0xb: {  	vm0 =	vmmov $0xffff;
	[sflag:s10] =	ssyncpa.u1 $0x0;
	s10 =	simm.s32 $0x0;
	s9 =	sadd.s32 $0x1, s8  }
.LBB2_4:
0xc: {  	vm1 =	veq.s32 v1, $0x80000000;
	v5 =	vand.u32 $0x7F, v1;
	v59 =	vand.u32 $0x7FFFF80, v1  }
0xd: {  	v5 =	vsel vm1, $0xFFFFFFFF, v5;
	v1 =	vsel vm1, $0xFFFFFF80, v59  }
0xe: {  	v3 =	vor.u32 v4, v3;
	v60 =	vand.u32 $0xFFFFFC00, v1;
	v6 =	vand.u32 $0xFFFFFC00, v5  }
0xf: {  	v2 =	vor.u32 v2, v3;
	v1 =	vand.u32 $0x380, v1;
	v61 =	vadd.s32 v6, v60  }
0x10: {  	v62 =	vand.u32 $0x7F, v5;
	v1 =	vor.u32 v1, v61  }
0x11: {  	v1 =	vor.u32 v62, v1  }
0x12: {  	[tilespmem:s16], [sflag:$0x1] =	stream.indirect_vreg.gather [hbm4b:s2+s10], $0x1, v0, vm0, $0x4038;
	v63 =	vld [tilespmem:$0x0]  }
0x13: {  	(ifvalue) =	ssetifvalue $0x7FFFFFFF  }
0x14: {  	[tilespmem:s15], [sflag:$0x1] =	stream.indirect_vreg.gather [hbm4b:s2+s10], $0x1, v2, vm0, $0x4038;
	v63 =	vld [tilespmem:$0x0]  }
0x15: {  	s29 =	sadd.s32 $0x10, s15;
	(ifvalue) =	ssetifvalue $0x7FFFFFFF  }
0x16: {  	[tilespmem:s29], [sflag:$0x1] =	stream.indirect_vreg.gather [hbm4b:s2+s10], $0x1, v1, vm0, $0x4038;
	v63 =	vld [tilespmem:$0x0]  }
0x17: {  	_ =	swait.ge [sflag:s6], $0x8000  }
0x18: {  	s30 =	sshrl.u32 s13, $0x3;
	[sflag:s6] =	ssyncset.done $0x0  }
0x19: {  	s31 =	sand.u32 $0x7, s13;
	s15 =	sadd.s32 s5, s30;
	[sflag:s6] =	ssyncadd.s32 $0xFFFF8000  }
0x1a: {  	[hbm4b:s15+s31] =	stream.linear.scatter [tilespmem:s14], [sflag:$0x3], $0x8000, $0x38;
	v63 =	vld [tilespmem:$0x0]  }
.LBB2_5:
0x1b: {  	s15 =	sadd.s32 $0x100000, s11  }
0x1c: {  	p2 =	sgt.s32 s15, $0x18FFFF  }
0x1d: {  	s15 =	smov.u32 @p2 s3;
	p2 =	sne.s32 s12, s9  }
.Ltmp1:
0x1e: {  	p1 =	slt.u32 s12, $0x2;
	(pc) =	sbr.rel @!p2 .LBB2_6-.Ltmp1, $4  }
0x1f: {  	s14 =	simm.s32 @!p1 $0x3  }
0x20: {  	s16 =	sadd.s32 $0x1, s12;
	_ =	swait.ge @!p1 [sflag:s14], $0x8000  }
0x21: {  	s13 =	smov.u32 s11;
	p0 =	por !p0, !p0;
	[sflag:s14] =	ssyncset.done @!p1 $0x0  }
0x22: {  	s12 =	smov.u32 s16;
	s11 =	smov.u32 s15;
	[sflag:s14] =	ssyncadd.s32 @!p1 $0xFFFF8000  }
.LBB2_1:
0x23: {  	p1 =	sge.u32 s12, s8  }
0x24: {  	s14 =	sxor.u32 @!p1 $0xFFFFFFFF, s12  }
0x25: {  	s31 =	sadd.s32 $0xFFFFFFFF, s12;
	s15 =	sshrl.u32 @!p1 s11, $0x3;
	s14 =	sshll.u32 @!p1 s14, $0xF  }
0x26: {  	s16 =	sand.u32 @!p1 $0x7, s11;
	s15 =	sadd.s32 @!p1 s4, s15;
	s14 =	sand.u32 @!p1 $0x8000, s14  }
0x27: {  	[tilespmem:s14], [sflag:$0x2] =	stream.linear.gather @!p1 [hbm4b:s15+s16], $0x8000, $0x38;
	v63 =	vld [tilespmem:$0x0]  }
0x28: {  	p1 =	sge.u32 s31, s8  }
.Ltmp2:
0x29: {  	_ = 	snop;
	(pc) =	sbr.rel @p1 .LBB2_5-.Ltmp2, $1  }
0x2a: {  	_ =	sdelay $0x3  }
0x2b: {  	s14 =	simm.s32 $0x1  }
0x2c: {  	_ =	swait.ge [sflag:s7], $0x8000;
	s14 =	simm.s32 @!p0 $0x0  }
0x2d: {  	[sflag:s7] =	ssyncset.done $0x0;
	s14 =	sshll.u32 s14, $0xF  }
0x2e: {  	[sflag:s7] =	ssyncadd.s32 $0xFFFF8000;
	(ifvalue) =	ssetifvalue $0x7FFFFFFF;
	v0 =	vld.msk [tilespmem:s14+$0x0 ss:$0x1], $0xffff;
	_ =	sdelay $0x4  }
0x2f: {  	s15 =	sadd.s32 $0x10, s14;
	vm1 =	veq.s32 v0, $0x80000000;
	v2 =	vand.u32 $0x7F, v0;
	v0 =	vand.u32 $0x7FFFF80, v0  }
0x30: {  	v1 =	vld.msk [tilespmem:s15+$0x0 ss:$0x1], $0xffff;
	v2 =	vsel vm1, $0xFFFFFFFF, v2;
	v0 =	vsel vm1, $0xFFFFFF80, v0  }
0x31: {  	v3 =	vand.u32 $0xFFFFFC00, v0;
	v4 =	vand.u32 $0xFFFFFC00, v2  }
0x32: {  	v0 =	vand.u32 $0x380, v0;
	v3 =	vadd.s32 v4, v3  }
0x33: {  	v2 =	vand.u32 $0x7F, v2;
	v0 =	vor.u32 v0, v3  }
0x34: {  	v0 =	vor.u32 v2, v0  }
0x35: {  	s16 =	sshll.u32 s12, $0xF;
	vm1 =	veq.s32 v1, $0x80000000;
	v4 =	vand.u32 $0x7F, v1;
	v1 =	vand.u32 $0x7FFFF80, v1  }
0x36: {  	s18 =	sand.u32 $0x8000, s16;
	v3 =	vsel vm1, $0xFFFFFFFF, v4;
	v4 =	vsel vm1, $0xFFFFFF80, v1  }
0x37: {  	s16 =	sor.u32 $0x10000, s14;
	s14 =	sor.u32 $0x10000, s18;
	s17 =	sadd.s32 $0x10, s15;
	v5 =	vand.u32 $0xFFFFFC00, v4;
	v6 =	vand.u32 $0xFFFFFC00, v3  }
0x38: {  	s18 =	simm.s32 $0x20;
	s15 =	sadd.s32 $0x10, s16;
	v1 =	vld.msk [tilespmem:s17+$0x0 ss:$0x1], $0xffff;
	(ifvalue) =	ssetifvalue $0x7FFFFFFF;
	v2 =	vand.u32 $0x7F, v3;
	v4 =	vand.u32 $0x380, v4;
	v3 =	vadd.s32 v6, v5  }
.LBB2_3:
0x39: {  	[tilespmem:s16], [sflag:$0x1] =	stream.indirect_vreg.gather [hbm4b:s2+s10], $0x1, v0, vm0, $0x4038;
	v63 =	vld [tilespmem:$0x0]  }
0x3a: {  	s18 =	sadd.s32 $0x10, s18  }
0x3b: {  	v3 =	vor.u32 v4, v3;
	p1 =	slt.u32 s18, $0x7FF0  }
.Ltmp3:
0x3c: {  	s17 =	sadd.s32 $0x10, s17;
	v0 =	vor.u32 v2, v3;
	(pc) =	sbr.rel @p1 .LBB2_3-.Ltmp3, $4  }
0x3d: {  	vm1 =	veq.s32 v1, $0x80000000;
	s16 =	smov.u32 s15;
	v2 =	vand.u32 $0x7F, v1;
	v3 =	vand.u32 $0x7FFFF80, v1;
	v1 =	vld.msk [tilespmem:s17+$0x0 ss:$0x1], $0xffff  }
0x3e: {  	v4 =	vsel vm1, $0xFFFFFFFF, v2;
	v5 =	vsel vm1, $0xFFFFFF80, v3  }
0x3f: {  	v2 =	vand.u32 $0x7F, v4;
	v3 =	vand.u32 $0xFFFFFC00, v5;
	v4 =	vand.u32 $0xFFFFFC00, v4  }
0x40: {  	s15 =	sadd.s32 $0x10, s15;
	v3 =	vadd.s32 v4, v3;
	v4 =	vand.u32 $0x380, v5;
	(ifvalue) =	ssetifvalue $0x7FFFFFFF  }
.Ltmp4:
0x41: {  	_ = 	snop;
	(pc) =	sbr.rel .LBB2_4-.Ltmp4, $1  }
0x42: {  	_ =	sdelay $0x3  }
.LBB2_6:
0x43: {  	_ =	sfence.sel $0x180000  }
0x44: {  	s2 =	simm.s32 $0x2;
	[bflag:$0x0] =	sbarrier.arrive $0xFFFF  }
0x45: {  	s30 =	simm.s32 $0x3;
	[sflag:s2] =	ssyncpa.u1 $0x1  }
0x46: {  	s31 =	simm.s32 $0x1;
	[sflag:s30] =	ssyncpa.u1 $0x1  }
0x47: {  	[sflag:s31] =	ssyncpa.u1 $0x1  }
0x48: {  	p0 =	sne.s32 s0, $0x0;
	_ =	strace $0x90000047  }
0x49: {  	s0 =	sadd.s32 @!p0 $0x100000, s1;
	[bflag:$0x2] =	sbarrier.arrive $0xFFFF  }
0x4a: {  	[sflag:s0] =	ssyncadd.tile.s32 @!p0 $0x1;
	_ =	shalt  }
.Lfunc_end2:
_tile_overlayer_lowered:
.L_overlay_start_2:
0x4b: {  	(tag) =	ssettag $0x2  }
0x4c: {  	s0 =	rddreg [dreg:$0x0];
	s2 =	stileid.u32  }
0x4d: {  	s1 =	rddreg [dreg:$0x1];
	p0 =	sne.s32 s2, $0x0  }
0x4e: {  	s3 =	rddreg [dreg:$0x2];
	[bflag:$0x3] =	sbarrier.arrive $0xFFFF;
	s2 =	simm.s32 @!p0 $0x1C01  }
0x4f: {  	[timem:s3], [sflag:s2] =	dma.local @!p0 [hbm:s0], s1  }
0x50: {  	s0 =	simm.s32 @!p0 $0x1  }
0x51: {  	_ =	swait.ge @!p0 [sflag:s0], s1  }
0x52: {  	s1 =	ssub.s32 @!p0 $0x0, s1;
	[sflag:s0] =	ssyncset.done @!p0 $0x0  }
0x53: {  	[sflag:s0] =	ssyncadd.s32 @!p0 s1  }
0x54: {  	[bflag:$0x3] =	sbarrier.arrive $0xFFFF  }
0x55: {  	_ =	shalt  }

</sc_bundles>
